<compile_context>
chip_gen: v7x
topology: tpu7x:2x2x1
jax: 0.10.2.dev20260603
libtpu: 0.0.44.dev20260713+nightly
codegen_flags: <defaults>
</compile_context>

<pallas_src>
import functools

import jax
import jax.numpy as jnp
from jax import lax
from jax.experimental import pallas as pl
from jax.experimental.pallas import tpu as pltpu
from jax.experimental.pallas import tpu_sc as plsc

_DEFAULT_VALUE = 0

_L = 16
_NC = 2
_NS = 16
_NW = _NC * _NS

_R = 16384
_C = 26
_ROWS_W = _R // _NW
_UNROLL = 16


def _lookup_sc(a, key16, val16):
    mesh = plsc.VectorSubcoreMesh(core_axis_name="c", subcore_axis_name="s")

    @functools.partial(
        pl.kernel,
        mesh=mesh,
        out_type=jax.ShapeDtypeStruct((_R, _C), jnp.int32),
        scratch_types=[
            pltpu.VMEM((_ROWS_W, _C), jnp.int32),
            pltpu.VMEM((_L,), jnp.int32),
            pltpu.VMEM((_L,), jnp.int32),
            pltpu.SemaphoreType.DMA,
        ],
    )
    def _k(a_hbm, key_hbm, val_hbm, out_hbm, a_v, key_v, val_v, sem):
        wid = lax.axis_index("s") * _NC + lax.axis_index("c")
        r_base = wid * _ROWS_W
        c_a = pltpu.async_copy(a_hbm.at[pl.ds(r_base, _ROWS_W)], a_v, sem)
        c_k = pltpu.async_copy(key_hbm, key_v, sem)
        c_v = pltpu.async_copy(val_hbm, val_v, sem)
        c_a.wait()
        c_k.wait()
        c_v.wait()
        key = key_v[...]
        val = val_v[...]
        default = jnp.full((_L,), _DEFAULT_VALUE, jnp.int32)

        def do(r):
            x0 = a_v[r, pl.ds(0, _L)]
            x1 = a_v[r, pl.ds(_C - _L, _L)]
            a_v[r, pl.ds(0, _L)] = jnp.where(x0 == key, val, default)
            a_v[r, pl.ds(_C - _L, _L)] = jnp.where(x1 == key, val, default)

        def body(i, carry):
            r0 = i * _UNROLL
            for u in range(_UNROLL):
                do(r0 + u)
            return carry

        lax.fori_loop(0, _ROWS_W // _UNROLL, body, 0)
        pltpu.sync_copy(a_v, out_hbm.at[pl.ds(r_base, _ROWS_W)])

    return _k(a, key16, val16)


def kernel(a, table_keys, table_values):
    a2 = a.astype(jnp.int32)
    key16 = jnp.broadcast_to(table_keys.astype(jnp.int32), (_L,))
    val16 = jnp.broadcast_to(table_values.astype(jnp.int32), (_L,))
    return {"y_click": _lookup_sc(a2, key16, val16)}

# --- scband reference (transcript-rebuilt; emitter-appended) ---
"""Pipeline reference for scband-test-model-11879879542997 (READ-ONLY COPY).

The authoritative reference and input builder live on the scoring server;
editing this copy changes nothing except your own understanding.
"""

import jax, jax.numpy as jnp
import numpy as np

DEFAULT_VALUE = 0  # default_value of the DenseHashTable


def setup_inputs(seed: int = 0) -> dict:
    key = jax.random.key(seed)
    a = jax.random.randint(key, (16384, 26), 0, 1000000, dtype=jnp.int64)
    # The DenseHashTable in the original module is built with training=True,
    # which inserts exactly one entry: (default_key=0 -> default_value=0).
    table_keys = jnp.array([0], dtype=jnp.int64)
    table_values = jnp.array([0], dtype=jnp.int32)
    return {"a": a, "table_keys": table_keys, "table_values": table_values}


def _hashtable_lookup(flat_ids, table_keys, table_values, default_value):
    # Emulate tf.lookup.experimental.DenseHashTable.lookup: exact-match keys,
    # missing keys map to default_value.
    matches = flat_ids[:, None] == table_keys[None, :]          # [N, K]
    idx = jnp.argmax(matches, axis=1)                            # first matching slot
    found = jnp.any(matches, axis=1)
    gathered = jnp.take(table_values, idx, axis=0)               # gather -> SparseCore
    return jnp.where(found, gathered, jnp.int32(default_value))


def reference(a, table_keys, table_values):
    # TestModel.call -> HashtableEmb.call (training=None, so no queue update)
    flatten_ids = jnp.reshape(a, (-1,))
    ids_value = _hashtable_lookup(flatten_ids, table_keys, table_values, DEFAULT_VALUE)
    ids_index_orig = jnp.reshape(ids_value, a.shape)
    return {"y_click": ids_index_orig}

if __name__ == "__main__":
    import jax
    _d = setup_inputs()
    print(jax.jit(kernel)(*tuple(_d.values())))

</pallas_src>

<mosaic_0001>
#map = affine_map<(d0, d1) -> (0, 0)>
#map1 = affine_map<(d0, d1) -> (0)>
module attributes {stable_mosaic.version = 14 : i64} {
  func.func @_k(%arg0: i32, %arg1: i32, %arg2: memref<16384x26xi32, #tpu.memory_space<hbm>>, %arg3: memref<16xi32, #tpu.memory_space<hbm>>, %arg4: memref<16xi32, #tpu.memory_space<hbm>>, %arg5: memref<16384x26xi32, #tpu.memory_space<hbm>>, %arg6: memref<512x26xi32, #tpu.memory_space<vmem>>, %arg7: memref<16xi32, #tpu.memory_space<vmem>>, %arg8: memref<16xi32, #tpu.memory_space<vmem>>, %arg9: memref<!tpu.dma_semaphore, #tpu.memory_space<semaphore_mem>>) attributes {dimension_semantics = [#tpu.dimension_semantics<core_parallel>, #tpu.dimension_semantics<subcore_parallel>], iteration_bounds = array<i64: 2, 16>, scalar_prefetch = 0 : i64, scratch_operands = 4 : i64, tpu.core_type = #tpu.core_type<sc_vector_subcore>, window_params = [{transform_indices = #map}, {transform_indices = #map1}, {transform_indices = #map1}, {transform_indices = #map}]} {
    %mul3A = arith.constant 2 : i32
    %mul3A_0 = arith.muli %arg1, %mul3A : i32
    %add3A = arith.addi %mul3A_0, %arg0 : i32
    %mul3A_1 = arith.constant 512 : i32
    %mul3A_2 = arith.muli %add3A, %mul3A_1 : i32
    %dma_start3A = arith.constant 0 : i32
    %dma_start3A_3 = tpu.memref_slice %arg2[%mul3A_2, %dma_start3A] : memref<16384x26xi32, #tpu.memory_space<hbm>> -> memref<512x26xi32, #tpu.memory_space<hbm>>
    %dma_start3A_4 = arith.constant 0 : i32
    %dma_start3A_5 = tpu.memref_slice %arg2[%mul3A_2, %dma_start3A_4] : memref<16384x26xi32, #tpu.memory_space<hbm>> -> memref<512x26xi32, #tpu.memory_space<hbm>>
    tpu.enqueue_dma source(%dma_start3A_5 : memref<512x26xi32, #tpu.memory_space<hbm>>) target(%arg6 : memref<512x26xi32, #tpu.memory_space<vmem>>) target_semaphore(%arg9 : memref<!tpu.dma_semaphore, #tpu.memory_space<semaphore_mem>>)
    tpu.enqueue_dma source(%arg3 : memref<16xi32, #tpu.memory_space<hbm>>) target(%arg7 : memref<16xi32, #tpu.memory_space<vmem>>) target_semaphore(%arg9 : memref<!tpu.dma_semaphore, #tpu.memory_space<semaphore_mem>>)
    tpu.enqueue_dma source(%arg4 : memref<16xi32, #tpu.memory_space<hbm>>) target(%arg8 : memref<16xi32, #tpu.memory_space<vmem>>) target_semaphore(%arg9 : memref<!tpu.dma_semaphore, #tpu.memory_space<semaphore_mem>>)
    %dma_wait3A = arith.constant 0 : i32
    %dma_wait3A_6 = tpu.memref_slice %arg2[%mul3A_2, %dma_wait3A] : memref<16384x26xi32, #tpu.memory_space<hbm>> -> memref<512x26xi32, #tpu.memory_space<hbm>>
    %dma_wait3A_7 = arith.constant 0 : i32
    %dma_wait3A_8 = tpu.memref_slice %arg2[%mul3A_2, %dma_wait3A_7] : memref<16384x26xi32, #tpu.memory_space<hbm>> -> memref<512x26xi32, #tpu.memory_space<hbm>>
    tpu.wait_dma2 semaphore(%arg9 : memref<!tpu.dma_semaphore, #tpu.memory_space<semaphore_mem>>) src(%dma_wait3A_8 : memref<512x26xi32, #tpu.memory_space<hbm>>) dst(%arg6 : memref<512x26xi32, #tpu.memory_space<vmem>>)
    tpu.wait_dma2 semaphore(%arg9 : memref<!tpu.dma_semaphore, #tpu.memory_space<semaphore_mem>>) src(%arg3 : memref<16xi32, #tpu.memory_space<hbm>>) dst(%arg7 : memref<16xi32, #tpu.memory_space<vmem>>)
    tpu.wait_dma2 semaphore(%arg9 : memref<!tpu.dma_semaphore, #tpu.memory_space<semaphore_mem>>) src(%arg4 : memref<16xi32, #tpu.memory_space<hbm>>) dst(%arg8 : memref<16xi32, #tpu.memory_space<vmem>>)
    %get3A = arith.constant 0 : index
    %get3A_9 = tpu.vector_load %arg7[%get3A] {strides = array<i32>} : memref<16xi32, #tpu.memory_space<vmem>>, vector<16xi32>,
    %get3A_10 = vector.shape_cast %get3A_9 : vector<16xi32> to vector<16xi32>
    %get3A_11 = arith.constant 0 : index
    %get3A_12 = tpu.vector_load %arg8[%get3A_11] {strides = array<i32>} : memref<16xi32, #tpu.memory_space<vmem>>, vector<16xi32>,
    %get3A_13 = vector.shape_cast %get3A_12 : vector<16xi32> to vector<16xi32>
    %broadcast_in_dim3A = arith.constant 0 : i32
    %broadcast_in_dim3A_14 = vector.broadcast %broadcast_in_dim3A : i32 to vector<16xi32>
    %scan3A = arith.constant 0 : i32
    %scan3A_15 = arith.constant 0 : i32
    %scan3A_16 = arith.constant 32 : i32
    %scan3A_17 = arith.addi %scan3A_15, %scan3A_16 : i32
    %scan3A_18 = arith.constant 1 : i32
    scf.for %scan3A_20 = %scan3A_15 to %scan3A_17 step %scan3A_18  : i32 {
      %mul3A_21 = arith.constant 16 : i32
      %mul3A_22 = arith.muli %scan3A_20, %mul3A_21 : i32
      %add3A_23 = arith.constant 0 : i32
      %add3A_24 = arith.addi %mul3A_22, %add3A_23 : i32
      %get3A_25 = arith.index_cast %add3A_24 : i32 to index
      %get3A_26 = arith.constant 0 : index
      %get3A_27 = tpu.vector_load %arg6[%get3A_25, %get3A_26] {strides = array<i32>} : memref<512x26xi32, #tpu.memory_space<vmem>>, vector<1x16xi32>,
      %get3A_28 = vector.shape_cast %get3A_27 : vector<1x16xi32> to vector<16xi32>
      %get3A_29 = arith.index_cast %add3A_24 : i32 to index
      %get3A_30 = arith.constant 10 : index
      %get3A_31 = tpu.vector_load %arg6[%get3A_29, %get3A_30] {strides = array<i32>} : memref<512x26xi32, #tpu.memory_space<vmem>>, vector<1x16xi32>,
      %get3A_32 = vector.shape_cast %get3A_31 : vector<1x16xi32> to vector<16xi32>
      %eq3A = arith.cmpi eq, %get3A_28, %get3A_10 : vector<16xi32>
      %select_n3A = arith.select %eq3A, %get3A_13, %broadcast_in_dim3A_14 : vector<16xi1>, vector<16xi32>
      %swap3A = arith.index_cast %add3A_24 : i32 to index
      %swap3A_33 = arith.constant 0 : index
      %swap3A_34 = tpu.vector_load %arg6[%swap3A, %swap3A_33] {strides = array<i32>} : memref<512x26xi32, #tpu.memory_space<vmem>>, vector<1x16xi32>,
      %swap3A_35 = vector.shape_cast %swap3A_34 : vector<1x16xi32> to vector<16xi32>
      %swap3A_36 = vector.shape_cast %select_n3A : vector<16xi32> to vector<1x16xi32>
      tpu.vector_store %arg6[%swap3A, %swap3A_33], %swap3A_36 {strides = array<i32>} : memref<512x26xi32, #tpu.memory_space<vmem>>, vector<1x16xi32>,
      %eq3A_37 = arith.cmpi eq, %get3A_32, %get3A_10 : vector<16xi32>
      %select_n3A_38 = arith.select %eq3A_37, %get3A_13, %broadcast_in_dim3A_14 : vector<16xi1>, vector<16xi32>
      %swap3A_39 = arith.index_cast %add3A_24 : i32 to index
      %swap3A_40 = arith.constant 10 : index
      %swap3A_41 = tpu.vector_load %arg6[%swap3A_39, %swap3A_40] {strides = array<i32>} : memref<512x26xi32, #tpu.memory_space<vmem>>, vector<1x16xi32>,
      %swap3A_42 = vector.shape_cast %swap3A_41 : vector<1x16xi32> to vector<16xi32>
      %swap3A_43 = vector.shape_cast %select_n3A_38 : vector<16xi32> to vector<1x16xi32>
      tpu.vector_store %arg6[%swap3A_39, %swap3A_40], %swap3A_43 {strides = array<i32>} : memref<512x26xi32, #tpu.memory_space<vmem>>, vector<1x16xi32>,
      %add3A_44 = arith.constant 1 : i32
      %add3A_45 = arith.addi %mul3A_22, %add3A_44 : i32
      %get3A_46 = arith.index_cast %add3A_45 : i32 to index
      %get3A_47 = arith.constant 0 : index
      %get3A_48 = tpu.vector_load %arg6[%get3A_46, %get3A_47] {strides = array<i32>} : memref<512x26xi32, #tpu.memory_space<vmem>>, vector<1x16xi32>,
      %get3A_49 = vector.shape_cast %get3A_48 : vector<1x16xi32> to vector<16xi32>
      %get3A_50 = arith.index_cast %add3A_45 : i32 to index
      %get3A_51 = arith.constant 10 : index
      %get3A_52 = tpu.vector_load %arg6[%get3A_50, %get3A_51] {strides = array<i32>} : memref<512x26xi32, #tpu.memory_space<vmem>>, vector<1x16xi32>,
      %get3A_53 = vector.shape_cast %get3A_52 : vector<1x16xi32> to vector<16xi32>
      %eq3A_54 = arith.cmpi eq, %get3A_49, %get3A_10 : vector<16xi32>
      %select_n3A_55 = arith.select %eq3A_54, %get3A_13, %broadcast_in_dim3A_14 : vector<16xi1>, vector<16xi32>
      %swap3A_56 = arith.index_cast %add3A_45 : i32 to index
      %swap3A_57 = arith.constant 0 : index
      %swap3A_58 = tpu.vector_load %arg6[%swap3A_56, %swap3A_57] {strides = array<i32>} : memref<512x26xi32, #tpu.memory_space<vmem>>, vector<1x16xi32>,
      %swap3A_59 = vector.shape_cast %swap3A_58 : vector<1x16xi32> to vector<16xi32>
      %swap3A_60 = vector.shape_cast %select_n3A_55 : vector<16xi32> to vector<1x16xi32>
      tpu.vector_store %arg6[%swap3A_56, %swap3A_57], %swap3A_60 {strides = array<i32>} : memref<512x26xi32, #tpu.memory_space<vmem>>, vector<1x16xi32>,
      %eq3A_61 = arith.cmpi eq, %get3A_53, %get3A_10 : vector<16xi32>
      %select_n3A_62 = arith.select %eq3A_61, %get3A_13, %broadcast_in_dim3A_14 : vector<16xi1>, vector<16xi32>
      %swap3A_63 = arith.index_cast %add3A_45 : i32 to index
      %swap3A_64 = arith.constant 10 : index
      %swap3A_65 = tpu.vector_load %arg6[%swap3A_63, %swap3A_64] {strides = array<i32>} : memref<512x26xi32, #tpu.memory_space<vmem>>, vector<1x16xi32>,
      %swap3A_66 = vector.shape_cast %swap3A_65 : vector<1x16xi32> to vector<16xi32>
      %swap3A_67 = vector.shape_cast %select_n3A_62 : vector<16xi32> to vector<1x16xi32>
      tpu.vector_store %arg6[%swap3A_63, %swap3A_64], %swap3A_67 {strides = array<i32>} : memref<512x26xi32, #tpu.memory_space<vmem>>, vector<1x16xi32>,
      %add3A_68 = arith.constant 2 : i32
      %add3A_69 = arith.addi %mul3A_22, %add3A_68 : i32
      %get3A_70 = arith.index_cast %add3A_69 : i32 to index
      %get3A_71 = arith.constant 0 : index
      %get3A_72 = tpu.vector_load %arg6[%get3A_70, %get3A_71] {strides = array<i32>} : memref<512x26xi32, #tpu.memory_space<vmem>>, vector<1x16xi32>,
      %get3A_73 = vector.shape_cast %get3A_72 : vector<1x16xi32> to vector<16xi32>
      %get3A_74 = arith.index_cast %add3A_69 : i32 to index
      %get3A_75 = arith.constant 10 : index
      %get3A_76 = tpu.vector_load %arg6[%get3A_74, %get3A_75] {strides = array<i32>} : memref<512x26xi32, #tpu.memory_space<vmem>>, vector<1x16xi32>,
      %get3A_77 = vector.shape_cast %get3A_76 : vector<1x16xi32> to vector<16xi32>
      %eq3A_78 = arith.cmpi eq, %get3A_73, %get3A_10 : vector<16xi32>
      %select_n3A_79 = arith.select %eq3A_78, %get3A_13, %broadcast_in_dim3A_14 : vector<16xi1>, vector<16xi32>
      %swap3A_80 = arith.index_cast %add3A_69 : i32 to index
      %swap3A_81 = arith.constant 0 : index
      %swap3A_82 = tpu.vector_load %arg6[%swap3A_80, %swap3A_81] {strides = array<i32>} : memref<512x26xi32, #tpu.memory_space<vmem>>, vector<1x16xi32>,
      %swap3A_83 = vector.shape_cast %swap3A_82 : vector<1x16xi32> to vector<16xi32>
      %swap3A_84 = vector.shape_cast %select_n3A_79 : vector<16xi32> to vector<1x16xi32>
      tpu.vector_store %arg6[%swap3A_80, %swap3A_81], %swap3A_84 {strides = array<i32>} : memref<512x26xi32, #tpu.memory_space<vmem>>, vector<1x16xi32>,
      %eq3A_85 = arith.cmpi eq, %get3A_77, %get3A_10 : vector<16xi32>
      %select_n3A_86 = arith.select %eq3A_85, %get3A_13, %broadcast_in_dim3A_14 : vector<16xi1>, vector<16xi32>
      %swap3A_87 = arith.index_cast %add3A_69 : i32 to index
      %swap3A_88 = arith.constant 10 : index
      %swap3A_89 = tpu.vector_load %arg6[%swap3A_87, %swap3A_88] {strides = array<i32>} : memref<512x26xi32, #tpu.memory_space<vmem>>, vector<1x16xi32>,
      %swap3A_90 = vector.shape_cast %swap3A_89 : vector<1x16xi32> to vector<16xi32>
      %swap3A_91 = vector.shape_cast %select_n3A_86 : vector<16xi32> to vector<1x16xi32>
      tpu.vector_store %arg6[%swap3A_87, %swap3A_88], %swap3A_91 {strides = array<i32>} : memref<512x26xi32, #tpu.memory_space<vmem>>, vector<1x16xi32>,
      %add3A_92 = arith.constant 3 : i32
      %add3A_93 = arith.addi %mul3A_22, %add3A_92 : i32
      %get3A_94 = arith.index_cast %add3A_93 : i32 to index
      %get3A_95 = arith.constant 0 : index
      %get3A_96 = tpu.vector_load %arg6[%get3A_94, %get3A_95] {strides = array<i32>} : memref<512x26xi32, #tpu.memory_space<vmem>>, vector<1x16xi32>,
      %get3A_97 = vector.shape_cast %get3A_96 : vector<1x16xi32> to vector<16xi32>
      %get3A_98 = arith.index_cast %add3A_93 : i32 to index
      %get3A_99 = arith.constant 10 : index
      %get3A_100 = tpu.vector_load %arg6[%get3A_98, %get3A_99] {strides = array<i32>} : memref<512x26xi32, #tpu.memory_space<vmem>>, vector<1x16xi32>,
      %get3A_101 = vector.shape_cast %get3A_100 : vector<1x16xi32> to vector<16xi32>
      %eq3A_102 = arith.cmpi eq, %get3A_97, %get3A_10 : vector<16xi32>
      %select_n3A_103 = arith.select %eq3A_102, %get3A_13, %broadcast_in_dim3A_14 : vector<16xi1>, vector<16xi32>
      %swap3A_104 = arith.index_cast %add3A_93 : i32 to index
      %swap3A_105 = arith.constant 0 : index
      %swap3A_106 = tpu.vector_load %arg6[%swap3A_104, %swap3A_105] {strides = array<i32>} : memref<512x26xi32, #tpu.memory_space<vmem>>, vector<1x16xi32>,
      %swap3A_107 = vector.shape_cast %swap3A_106 : vector<1x16xi32> to vector<16xi32>
      %swap3A_108 = vector.shape_cast %select_n3A_103 : vector<16xi32> to vector<1x16xi32>
      tpu.vector_store %arg6[%swap3A_104, %swap3A_105], %swap3A_108 {strides = array<i32>} : memref<512x26xi32, #tpu.memory_space<vmem>>, vector<1x16xi32>,
      %eq3A_109 = arith.cmpi eq, %get3A_101, %get3A_10 : vector<16xi32>
      %select_n3A_110 = arith.select %eq3A_109, %get3A_13, %broadcast_in_dim3A_14 : vector<16xi1>, vector<16xi32>
      %swap3A_111 = arith.index_cast %add3A_93 : i32 to index
      %swap3A_112 = arith.constant 10 : index
      %swap3A_113 = tpu.vector_load %arg6[%swap3A_111, %swap3A_112] {strides = array<i32>} : memref<512x26xi32, #tpu.memory_space<vmem>>, vector<1x16xi32>,
      %swap3A_114 = vector.shape_cast %swap3A_113 : vector<1x16xi32> to vector<16xi32>
      %swap3A_115 = vector.shape_cast %select_n3A_110 : vector<16xi32> to vector<1x16xi32>
      tpu.vector_store %arg6[%swap3A_111, %swap3A_112], %swap3A_115 {strides = array<i32>} : memref<512x26xi32, #tpu.memory_space<vmem>>, vector<1x16xi32>,
      %add3A_116 = arith.constant 4 : i32
      %add3A_117 = arith.addi %mul3A_22, %add3A_116 : i32
      %get3A_118 = arith.index_cast %add3A_117 : i32 to index
      %get3A_119 = arith.constant 0 : index
      %get3A_120 = tpu.vector_load %arg6[%get3A_118, %get3A_119] {strides = array<i32>} : memref<512x26xi32, #tpu.memory_space<vmem>>, vector<1x16xi32>,
      %get3A_121 = vector.shape_cast %get3A_120 : vector<1x16xi32> to vector<16xi32>
      %get3A_122 = arith.index_cast %add3A_117 : i32 to index
      %get3A_123 = arith.constant 10 : index
      %get3A_124 = tpu.vector_load %arg6[%get3A_122, %get3A_123] {strides = array<i32>} : memref<512x26xi32, #tpu.memory_space<vmem>>, vector<1x16xi32>,
      %get3A_125 = vector.shape_cast %get3A_124 : vector<1x16xi32> to vector<16xi32>
      %eq3A_126 = arith.cmpi eq, %get3A_121, %get3A_10 : vector<16xi32>
      %select_n3A_127 = arith.select %eq3A_126, %get3A_13, %broadcast_in_dim3A_14 : vector<16xi1>, vector<16xi32>
      %swap3A_128 = arith.index_cast %add3A_117 : i32 to index
      %swap3A_129 = arith.constant 0 : index
      %swap3A_130 = tpu.vector_load %arg6[%swap3A_128, %swap3A_129] {strides = array<i32>} : memref<512x26xi32, #tpu.memory_space<vmem>>, vector<1x16xi32>,
      %swap3A_131 = vector.shape_cast %swap3A_130 : vector<1x16xi32> to vector<16xi32>
      %swap3A_132 = vector.shape_cast %select_n3A_127 : vector<16xi32> to vector<1x16xi32>
      tpu.vector_store %arg6[%swap3A_128, %swap3A_129], %swap3A_132 {strides = array<i32>} : memref<512x26xi32, #tpu.memory_space<vmem>>, vector<1x16xi32>,
      %eq3A_133 = arith.cmpi eq, %get3A_125, %get3A_10 : vector<16xi32>
      %select_n3A_134 = arith.select %eq3A_133, %get3A_13, %broadcast_in_dim3A_14 : vector<16xi1>, vector<16xi32>
      %swap3A_135 = arith.index_cast %add3A_117 : i32 to index
      %swap3A_136 = arith.constant 10 : index
      %swap3A_137 = tpu.vector_load %arg6[%swap3A_135, %swap3A_136] {strides = array<i32>} : memref<512x26xi32, #tpu.memory_space<vmem>>, vector<1x16xi32>,
      %swap3A_138 = vector.shape_cast %swap3A_137 : vector<1x16xi32> to vector<16xi32>
      %swap3A_139 = vector.shape_cast %select_n3A_134 : vector<16xi32> to vector<1x16xi32>
      tpu.vector_store %arg6[%swap3A_135, %swap3A_136], %swap3A_139 {strides = array<i32>} : memref<512x26xi32, #tpu.memory_space<vmem>>, vector<1x16xi32>,
      %add3A_140 = arith.constant 5 : i32
      %add3A_141 = arith.addi %mul3A_22, %add3A_140 : i32
      %get3A_142 = arith.index_cast %add3A_141 : i32 to index
      %get3A_143 = arith.constant 0 : index
      %get3A_144 = tpu.vector_load %arg6[%get3A_142, %get3A_143] {strides = array<i32>} : memref<512x26xi32, #tpu.memory_space<vmem>>, vector<1x16xi32>,
      %get3A_145 = vector.shape_cast %get3A_144 : vector<1x16xi32> to vector<16xi32>
      %get3A_146 = arith.index_cast %add3A_141 : i32 to index
      %get3A_147 = arith.constant 10 : index
      %get3A_148 = tpu.vector_load %arg6[%get3A_146, %get3A_147] {strides = array<i32>} : memref<512x26xi32, #tpu.memory_space<vmem>>, vector<1x16xi32>,
      %get3A_149 = vector.shape_cast %get3A_148 : vector<1x16xi32> to vector<16xi32>
      %eq3A_150 = arith.cmpi eq, %get3A_145, %get3A_10 : vector<16xi32>
      %select_n3A_151 = arith.select %eq3A_150, %get3A_13, %broadcast_in_dim3A_14 : vector<16xi1>, vector<16xi32>
      %swap3A_152 = arith.index_cast %add3A_141 : i32 to index
      %swap3A_153 = arith.constant 0 : index
      %swap3A_154 = tpu.vector_load %arg6[%swap3A_152, %swap3A_153] {strides = array<i32>} : memref<512x26xi32, #tpu.memory_space<vmem>>, vector<1x16xi32>,
      %swap3A_155 = vector.shape_cast %swap3A_154 : vector<1x16xi32> to vector<16xi32>
      %swap3A_156 = vector.shape_cast %select_n3A_151 : vector<16xi32> to vector<1x16xi32>
      tpu.vector_store %arg6[%swap3A_152, %swap3A_153], %swap3A_156 {strides = array<i32>} : memref<512x26xi32, #tpu.memory_space<vmem>>, vector<1x16xi32>,
      %eq3A_157 = arith.cmpi eq, %get3A_149, %get3A_10 : vector<16xi32>
      %select_n3A_158 = arith.select %eq3A_157, %get3A_13, %broadcast_in_dim3A_14 : vector<16xi1>, vector<16xi32>
      %swap3A_159 = arith.index_cast %add3A_141 : i32 to index
      %swap3A_160 = arith.constant 10 : index
      %swap3A_161 = tpu.vector_load %arg6[%swap3A_159, %swap3A_160] {strides = array<i32>} : memref<512x26xi32, #tpu.memory_space<vmem>>, vector<1x16xi32>,
      %swap3A_162 = vector.shape_cast %swap3A_161 : vector<1x16xi32> to vector<16xi32>
      %swap3A_163 = vector.shape_cast %select_n3A_158 : vector<16xi32> to vector<1x16xi32>
      tpu.vector_store %arg6[%swap3A_159, %swap3A_160], %swap3A_163 {strides = array<i32>} : memref<512x26xi32, #tpu.memory_space<vmem>>, vector<1x16xi32>,
      %add3A_164 = arith.constant 6 : i32
      %add3A_165 = arith.addi %mul3A_22, %add3A_164 : i32
      %get3A_166 = arith.index_cast %add3A_165 : i32 to index
      %get3A_167 = arith.constant 0 : index
      %get3A_168 = tpu.vector_load %arg6[%get3A_166, %get3A_167] {strides = array<i32>} : memref<512x26xi32, #tpu.memory_space<vmem>>, vector<1x16xi32>,
      %get3A_169 = vector.shape_cast %get3A_168 : vector<1x16xi32> to vector<16xi32>
      %get3A_170 = arith.index_cast %add3A_165 : i32 to index
      %get3A_171 = arith.constant 10 : index
      %get3A_172 = tpu.vector_load %arg6[%get3A_170, %get3A_171] {strides = array<i32>} : memref<512x26xi32, #tpu.memory_space<vmem>>, vector<1x16xi32>,
      %get3A_173 = vector.shape_cast %get3A_172 : vector<1x16xi32> to vector<16xi32>
      %eq3A_174 = arith.cmpi eq, %get3A_169, %get3A_10 : vector<16xi32>
      %select_n3A_175 = arith.select %eq3A_174, %get3A_13, %broadcast_in_dim3A_14 : vector<16xi1>, vector<16xi32>
      %swap3A_176 = arith.index_cast %add3A_165 : i32 to index
      %swap3A_177 = arith.constant 0 : index
      %swap3A_178 = tpu.vector_load %arg6[%swap3A_176, %swap3A_177] {strides = array<i32>} : memref<512x26xi32, #tpu.memory_space<vmem>>, vector<1x16xi32>,
      %swap3A_179 = vector.shape_cast %swap3A_178 : vector<1x16xi32> to vector<16xi32>
      %swap3A_180 = vector.shape_cast %select_n3A_175 : vector<16xi32> to vector<1x16xi32>
      tpu.vector_store %arg6[%swap3A_176, %swap3A_177], %swap3A_180 {strides = array<i32>} : memref<512x26xi32, #tpu.memory_space<vmem>>, vector<1x16xi32>,
      %eq3A_181 = arith.cmpi eq, %get3A_173, %get3A_10 : vector<16xi32>
      %select_n3A_182 = arith.select %eq3A_181, %get3A_13, %broadcast_in_dim3A_14 : vector<16xi1>, vector<16xi32>
      %swap3A_183 = arith.index_cast %add3A_165 : i32 to index
      %swap3A_184 = arith.constant 10 : index
      %swap3A_185 = tpu.vector_load %arg6[%swap3A_183, %swap3A_184] {strides = array<i32>} : memref<512x26xi32, #tpu.memory_space<vmem>>, vector<1x16xi32>,
      %swap3A_186 = vector.shape_cast %swap3A_185 : vector<1x16xi32> to vector<16xi32>
      %swap3A_187 = vector.shape_cast %select_n3A_182 : vector<16xi32> to vector<1x16xi32>
      tpu.vector_store %arg6[%swap3A_183, %swap3A_184], %swap3A_187 {strides = array<i32>} : memref<512x26xi32, #tpu.memory_space<vmem>>, vector<1x16xi32>,
      %add3A_188 = arith.constant 7 : i32
      %add3A_189 = arith.addi %mul3A_22, %add3A_188 : i32
      %get3A_190 = arith.index_cast %add3A_189 : i32 to index
      %get3A_191 = arith.constant 0 : index
      %get3A_192 = tpu.vector_load %arg6[%get3A_190, %get3A_191] {strides = array<i32>} : memref<512x26xi32, #tpu.memory_space<vmem>>, vector<1x16xi32>,
      %get3A_193 = vector.shape_cast %get3A_192 : vector<1x16xi32> to vector<16xi32>
      %get3A_194 = arith.index_cast %add3A_189 : i32 to index
      %get3A_195 = arith.constant 10 : index
      %get3A_196 = tpu.vector_load %arg6[%get3A_194, %get3A_195] {strides = array<i32>} : memref<512x26xi32, #tpu.memory_space<vmem>>, vector<1x16xi32>,
      %get3A_197 = vector.shape_cast %get3A_196 : vector<1x16xi32> to vector<16xi32>
      %eq3A_198 = arith.cmpi eq, %get3A_193, %get3A_10 : vector<16xi32>
      %select_n3A_199 = arith.select %eq3A_198, %get3A_13, %broadcast_in_dim3A_14 : vector<16xi1>, vector<16xi32>
      %swap3A_200 = arith.index_cast %add3A_189 : i32 to index
      %swap3A_201 = arith.constant 0 : index
      %swap3A_202 = tpu.vector_load %arg6[%swap3A_200, %swap3A_201] {strides = array<i32>} : memref<512x26xi32, #tpu.memory_space<vmem>>, vector<1x16xi32>,
      %swap3A_203 = vector.shape_cast %swap3A_202 : vector<1x16xi32> to vector<16xi32>
      %swap3A_204 = vector.shape_cast %select_n3A_199 : vector<16xi32> to vector<1x16xi32>
      tpu.vector_store %arg6[%swap3A_200, %swap3A_201], %swap3A_204 {strides = array<i32>} : memref<512x26xi32, #tpu.memory_space<vmem>>, vector<1x16xi32>,
      %eq3A_205 = arith.cmpi eq, %get3A_197, %get3A_10 : vector<16xi32>
      %select_n3A_206 = arith.select %eq3A_205, %get3A_13, %broadcast_in_dim3A_14 : vector<16xi1>, vector<16xi32>
      %swap3A_207 = arith.index_cast %add3A_189 : i32 to index
      %swap3A_208 = arith.constant 10 : index
      %swap3A_209 = tpu.vector_load %arg6[%swap3A_207, %swap3A_208] {strides = array<i32>} : memref<512x26xi32, #tpu.memory_space<vmem>>, vector<1x16xi32>,
      %swap3A_210 = vector.shape_cast %swap3A_209 : vector<1x16xi32> to vector<16xi32>
      %swap3A_211 = vector.shape_cast %select_n3A_206 : vector<16xi32> to vector<1x16xi32>
      tpu.vector_store %arg6[%swap3A_207, %swap3A_208], %swap3A_211 {strides = array<i32>} : memref<512x26xi32, #tpu.memory_space<vmem>>, vector<1x16xi32>,
      %add3A_212 = arith.constant 8 : i32
      %add3A_213 = arith.addi %mul3A_22, %add3A_212 : i32
      %get3A_214 = arith.index_cast %add3A_213 : i32 to index
      %get3A_215 = arith.constant 0 : index
      %get3A_216 = tpu.vector_load %arg6[%get3A_214, %get3A_215] {strides = array<i32>} : memref<512x26xi32, #tpu.memory_space<vmem>>, vector<1x16xi32>,
      %get3A_217 = vector.shape_cast %get3A_216 : vector<1x16xi32> to vector<16xi32>
      %get3A_218 = arith.index_cast %add3A_213 : i32 to index
      %get3A_219 = arith.constant 10 : index
      %get3A_220 = tpu.vector_load %arg6[%get3A_218, %get3A_219] {strides = array<i32>} : memref<512x26xi32, #tpu.memory_space<vmem>>, vector<1x16xi32>,
      %get3A_221 = vector.shape_cast %get3A_220 : vector<1x16xi32> to vector<16xi32>
      %eq3A_222 = arith.cmpi eq, %get3A_217, %get3A_10 : vector<16xi32>
      %select_n3A_223 = arith.select %eq3A_222, %get3A_13, %broadcast_in_dim3A_14 : vector<16xi1>, vector<16xi32>
      %swap3A_224 = arith.index_cast %add3A_213 : i32 to index
      %swap3A_225 = arith.constant 0 : index
      %swap3A_226 = tpu.vector_load %arg6[%swap3A_224, %swap3A_225] {strides = array<i32>} : memref<512x26xi32, #tpu.memory_space<vmem>>, vector<1x16xi32>,
      %swap3A_227 = vector.shape_cast %swap3A_226 : vector<1x16xi32> to vector<16xi32>
      %swap3A_228 = vector.shape_cast %select_n3A_223 : vector<16xi32> to vector<1x16xi32>
      tpu.vector_store %arg6[%swap3A_224, %swap3A_225], %swap3A_228 {strides = array<i32>} : memref<512x26xi32, #tpu.memory_space<vmem>>, vector<1x16xi32>,
      %eq3A_229 = arith.cmpi eq, %get3A_221, %get3A_10 : vector<16xi32>
      %select_n3A_230 = arith.select %eq3A_229, %get3A_13, %broadcast_in_dim3A_14 : vector<16xi1>, vector<16xi32>
      %swap3A_231 = arith.index_cast %add3A_213 : i32 to index
      %swap3A_232 = arith.constant 10 : index
      %swap3A_233 = tpu.vector_load %arg6[%swap3A_231, %swap3A_232] {strides = array<i32>} : memref<512x26xi32, #tpu.memory_space<vmem>>, vector<1x16xi32>,
      %swap3A_234 = vector.shape_cast %swap3A_233 : vector<1x16xi32> to vector<16xi32>
      %swap3A_235 = vector.shape_cast %select_n3A_230 : vector<16xi32> to vector<1x16xi32>
      tpu.vector_store %arg6[%swap3A_231, %swap3A_232], %swap3A_235 {strides = array<i32>} : memref<512x26xi32, #tpu.memory_space<vmem>>, vector<1x16xi32>,
      %add3A_236 = arith.constant 9 : i32
      %add3A_237 = arith.addi %mul3A_22, %add3A_236 : i32
      %get3A_238 = arith.index_cast %add3A_237 : i32 to index
      %get3A_239 = arith.constant 0 : index
      %get3A_240 = tpu.vector_load %arg6[%get3A_238, %get3A_239] {strides = array<i32>} : memref<512x26xi32, #tpu.memory_space<vmem>>, vector<1x16xi32>,
      %get3A_241 = vector.shape_cast %get3A_240 : vector<1x16xi32> to vector<16xi32>
      %get3A_242 = arith.index_cast %add3A_237 : i32 to index
      %get3A_243 = arith.constant 10 : index
      %get3A_244 = tpu.vector_load %arg6[%get3A_242, %get3A_243] {strides = array<i32>} : memref<512x26xi32, #tpu.memory_space<vmem>>, vector<1x16xi32>,
      %get3A_245 = vector.shape_cast %get3A_244 : vector<1x16xi32> to vector<16xi32>
      %eq3A_246 = arith.cmpi eq, %get3A_241, %get3A_10 : vector<16xi32>
      %select_n3A_247 = arith.select %eq3A_246, %get3A_13, %broadcast_in_dim3A_14 : vector<16xi1>, vector<16xi32>
      %swap3A_248 = arith.index_cast %add3A_237 : i32 to index
      %swap3A_249 = arith.constant 0 : index
      %swap3A_250 = tpu.vector_load %arg6[%swap3A_248, %swap3A_249] {strides = array<i32>} : memref<512x26xi32, #tpu.memory_space<vmem>>, vector<1x16xi32>,
      %swap3A_251 = vector.shape_cast %swap3A_250 : vector<1x16xi32> to vector<16xi32>
      %swap3A_252 = vector.shape_cast %select_n3A_247 : vector<16xi32> to vector<1x16xi32>
      tpu.vector_store %arg6[%swap3A_248, %swap3A_249], %swap3A_252 {strides = array<i32>} : memref<512x26xi32, #tpu.memory_space<vmem>>, vector<1x16xi32>,
      %eq3A_253 = arith.cmpi eq, %get3A_245, %get3A_10 : vector<16xi32>
      %select_n3A_254 = arith.select %eq3A_253, %get3A_13, %broadcast_in_dim3A_14 : vector<16xi1>, vector<16xi32>
      %swap3A_255 = arith.index_cast %add3A_237 : i32 to index
      %swap3A_256 = arith.constant 10 : index
      %swap3A_257 = tpu.vector_load %arg6[%swap3A_255, %swap3A_256] {strides = array<i32>} : memref<512x26xi32, #tpu.memory_space<vmem>>, vector<1x16xi32>,
      %swap3A_258 = vector.shape_cast %swap3A_257 : vector<1x16xi32> to vector<16xi32>
      %swap3A_259 = vector.shape_cast %select_n3A_254 : vector<16xi32> to vector<1x16xi32>
      tpu.vector_store %arg6[%swap3A_255, %swap3A_256], %swap3A_259 {strides = array<i32>} : memref<512x26xi32, #tpu.memory_space<vmem>>, vector<1x16xi32>,
      %add3A_260 = arith.constant 10 : i32
      %add3A_261 = arith.addi %mul3A_22, %add3A_260 : i32
      %get3A_262 = arith.index_cast %add3A_261 : i32 to index
      %get3A_263 = arith.constant 0 : index
      %get3A_264 = tpu.vector_load %arg6[%get3A_262, %get3A_263] {strides = array<i32>} : memref<512x26xi32, #tpu.memory_space<vmem>>, vector<1x16xi32>,
      %get3A_265 = vector.shape_cast %get3A_264 : vector<1x16xi32> to vector<16xi32>
      %get3A_266 = arith.index_cast %add3A_261 : i32 to index
      %get3A_267 = arith.constant 10 : index
      %get3A_268 = tpu.vector_load %arg6[%get3A_266, %get3A_267] {strides = array<i32>} : memref<512x26xi32, #tpu.memory_space<vmem>>, vector<1x16xi32>,
      %get3A_269 = vector.shape_cast %get3A_268 : vector<1x16xi32> to vector<16xi32>
      %eq3A_270 = arith.cmpi eq, %get3A_265, %get3A_10 : vector<16xi32>
      %select_n3A_271 = arith.select %eq3A_270, %get3A_13, %broadcast_in_dim3A_14 : vector<16xi1>, vector<16xi32>
      %swap3A_272 = arith.index_cast %add3A_261 : i32 to index
      %swap3A_273 = arith.constant 0 : index
      %swap3A_274 = tpu.vector_load %arg6[%swap3A_272, %swap3A_273] {strides = array<i32>} : memref<512x26xi32, #tpu.memory_space<vmem>>, vector<1x16xi32>,
      %swap3A_275 = vector.shape_cast %swap3A_274 : vector<1x16xi32> to vector<16xi32>
      %swap3A_276 = vector.shape_cast %select_n3A_271 : vector<16xi32> to vector<1x16xi32>
      tpu.vector_store %arg6[%swap3A_272, %swap3A_273], %swap3A_276 {strides = array<i32>} : memref<512x26xi32, #tpu.memory_space<vmem>>, vector<1x16xi32>,
      %eq3A_277 = arith.cmpi eq, %get3A_269, %get3A_10 : vector<16xi32>
      %select_n3A_278 = arith.select %eq3A_277, %get3A_13, %broadcast_in_dim3A_14 : vector<16xi1>, vector<16xi32>
      %swap3A_279 = arith.index_cast %add3A_261 : i32 to index
      %swap3A_280 = arith.constant 10 : index
      %swap3A_281 = tpu.vector_load %arg6[%swap3A_279, %swap3A_280] {strides = array<i32>} : memref<512x26xi32, #tpu.memory_space<vmem>>, vector<1x16xi32>,
      %swap3A_282 = vector.shape_cast %swap3A_281 : vector<1x16xi32> to vector<16xi32>
      %swap3A_283 = vector.shape_cast %select_n3A_278 : vector<16xi32> to vector<1x16xi32>
      tpu.vector_store %arg6[%swap3A_279, %swap3A_280], %swap3A_283 {strides = array<i32>} : memref<512x26xi32, #tpu.memory_space<vmem>>, vector<1x16xi32>,
      %add3A_284 = arith.constant 11 : i32
      %add3A_285 = arith.addi %mul3A_22, %add3A_284 : i32
      %get3A_286 = arith.index_cast %add3A_285 : i32 to index
      %get3A_287 = arith.constant 0 : index
      %get3A_288 = tpu.vector_load %arg6[%get3A_286, %get3A_287] {strides = array<i32>} : memref<512x26xi32, #tpu.memory_space<vmem>>, vector<1x16xi32>,
      %get3A_289 = vector.shape_cast %get3A_288 : vector<1x16xi32> to vector<16xi32>
      %get3A_290 = arith.index_cast %add3A_285 : i32 to index
      %get3A_291 = arith.constant 10 : index
      %get3A_292 = tpu.vector_load %arg6[%get3A_290, %get3A_291] {strides = array<i32>} : memref<512x26xi32, #tpu.memory_space<vmem>>, vector<1x16xi32>,
      %get3A_293 = vector.shape_cast %get3A_292 : vector<1x16xi32> to vector<16xi32>
      %eq3A_294 = arith.cmpi eq, %get3A_289, %get3A_10 : vector<16xi32>
      %select_n3A_295 = arith.select %eq3A_294, %get3A_13, %broadcast_in_dim3A_14 : vector<16xi1>, vector<16xi32>
      %swap3A_296 = arith.index_cast %add3A_285 : i32 to index
      %swap3A_297 = arith.constant 0 : index
      %swap3A_298 = tpu.vector_load %arg6[%swap3A_296, %swap3A_297] {strides = array<i32>} : memref<512x26xi32, #tpu.memory_space<vmem>>, vector<1x16xi32>,
      %swap3A_299 = vector.shape_cast %swap3A_298 : vector<1x16xi32> to vector<16xi32>
      %swap3A_300 = vector.shape_cast %select_n3A_295 : vector<16xi32> to vector<1x16xi32>
      tpu.vector_store %arg6[%swap3A_296, %swap3A_297], %swap3A_300 {strides = array<i32>} : memref<512x26xi32, #tpu.memory_space<vmem>>, vector<1x16xi32>,
      %eq3A_301 = arith.cmpi eq, %get3A_293, %get3A_10 : vector<16xi32>
      %select_n3A_302 = arith.select %eq3A_301, %get3A_13, %broadcast_in_dim3A_14 : vector<16xi1>, vector<16xi32>
      %swap3A_303 = arith.index_cast %add3A_285 : i32 to index
      %swap3A_304 = arith.constant 10 : index
      %swap3A_305 = tpu.vector_load %arg6[%swap3A_303, %swap3A_304] {strides = array<i32>} : memref<512x26xi32, #tpu.memory_space<vmem>>, vector<1x16xi32>,
      %swap3A_306 = vector.shape_cast %swap3A_305 : vector<1x16xi32> to vector<16xi32>
      %swap3A_307 = vector.shape_cast %select_n3A_302 : vector<16xi32> to vector<1x16xi32>
      tpu.vector_store %arg6[%swap3A_303, %swap3A_304], %swap3A_307 {strides = array<i32>} : memref<512x26xi32, #tpu.memory_space<vmem>>, vector<1x16xi32>,
      %add3A_308 = arith.constant 12 : i32
      %add3A_309 = arith.addi %mul3A_22, %add3A_308 : i32
      %get3A_310 = arith.index_cast %add3A_309 : i32 to index
      %get3A_311 = arith.constant 0 : index
      %get3A_312 = tpu.vector_load %arg6[%get3A_310, %get3A_311] {strides = array<i32>} : memref<512x26xi32, #tpu.memory_space<vmem>>, vector<1x16xi32>,
      %get3A_313 = vector.shape_cast %get3A_312 : vector<1x16xi32> to vector<16xi32>
      %get3A_314 = arith.index_cast %add3A_309 : i32 to index
      %get3A_315 = arith.constant 10 : index
      %get3A_316 = tpu.vector_load %arg6[%get3A_314, %get3A_315] {strides = array<i32>} : memref<512x26xi32, #tpu.memory_space<vmem>>, vector<1x16xi32>,
      %get3A_317 = vector.shape_cast %get3A_316 : vector<1x16xi32> to vector<16xi32>
      %eq3A_318 = arith.cmpi eq, %get3A_313, %get3A_10 : vector<16xi32>
      %select_n3A_319 = arith.select %eq3A_318, %get3A_13, %broadcast_in_dim3A_14 : vector<16xi1>, vector<16xi32>
      %swap3A_320 = arith.index_cast %add3A_309 : i32 to index
      %swap3A_321 = arith.constant 0 : index
      %swap3A_322 = tpu.vector_load %arg6[%swap3A_320, %swap3A_321] {strides = array<i32>} : memref<512x26xi32, #tpu.memory_space<vmem>>, vector<1x16xi32>,
      %swap3A_323 = vector.shape_cast %swap3A_322 : vector<1x16xi32> to vector<16xi32>
      %swap3A_324 = vector.shape_cast %select_n3A_319 : vector<16xi32> to vector<1x16xi32>
      tpu.vector_store %arg6[%swap3A_320, %swap3A_321], %swap3A_324 {strides = array<i32>} : memref<512x26xi32, #tpu.memory_space<vmem>>, vector<1x16xi32>,
      %eq3A_325 = arith.cmpi eq, %get3A_317, %get3A_10 : vector<16xi32>
      %select_n3A_326 = arith.select %eq3A_325, %get3A_13, %broadcast_in_dim3A_14 : vector<16xi1>, vector<16xi32>
      %swap3A_327 = arith.index_cast %add3A_309 : i32 to index
      %swap3A_328 = arith.constant 10 : index
      %swap3A_329 = tpu.vector_load %arg6[%swap3A_327, %swap3A_328] {strides = array<i32>} : memref<512x26xi32, #tpu.memory_space<vmem>>, vector<1x16xi32>,
      %swap3A_330 = vector.shape_cast %swap3A_329 : vector<1x16xi32> to vector<16xi32>
      %swap3A_331 = vector.shape_cast %select_n3A_326 : vector<16xi32> to vector<1x16xi32>
      tpu.vector_store %arg6[%swap3A_327, %swap3A_328], %swap3A_331 {strides = array<i32>} : memref<512x26xi32, #tpu.memory_space<vmem>>, vector<1x16xi32>,
      %add3A_332 = arith.constant 13 : i32
      %add3A_333 = arith.addi %mul3A_22, %add3A_332 : i32
      %get3A_334 = arith.index_cast %add3A_333 : i32 to index
      %get3A_335 = arith.constant 0 : index
      %get3A_336 = tpu.vector_load %arg6[%get3A_334, %get3A_335] {strides = array<i32>} : memref<512x26xi32, #tpu.memory_space<vmem>>, vector<1x16xi32>,
      %get3A_337 = vector.shape_cast %get3A_336 : vector<1x16xi32> to vector<16xi32>
      %get3A_338 = arith.index_cast %add3A_333 : i32 to index
      %get3A_339 = arith.constant 10 : index
      %get3A_340 = tpu.vector_load %arg6[%get3A_338, %get3A_339] {strides = array<i32>} : memref<512x26xi32, #tpu.memory_space<vmem>>, vector<1x16xi32>,
      %get3A_341 = vector.shape_cast %get3A_340 : vector<1x16xi32> to vector<16xi32>
      %eq3A_342 = arith.cmpi eq, %get3A_337, %get3A_10 : vector<16xi32>
      %select_n3A_343 = arith.select %eq3A_342, %get3A_13, %broadcast_in_dim3A_14 : vector<16xi1>, vector<16xi32>
      %swap3A_344 = arith.index_cast %add3A_333 : i32 to index
      %swap3A_345 = arith.constant 0 : index
      %swap3A_346 = tpu.vector_load %arg6[%swap3A_344, %swap3A_345] {strides = array<i32>} : memref<512x26xi32, #tpu.memory_space<vmem>>, vector<1x16xi32>,
      %swap3A_347 = vector.shape_cast %swap3A_346 : vector<1x16xi32> to vector<16xi32>
      %swap3A_348 = vector.shape_cast %select_n3A_343 : vector<16xi32> to vector<1x16xi32>
      tpu.vector_store %arg6[%swap3A_344, %swap3A_345], %swap3A_348 {strides = array<i32>} : memref<512x26xi32, #tpu.memory_space<vmem>>, vector<1x16xi32>,
      %eq3A_349 = arith.cmpi eq, %get3A_341, %get3A_10 : vector<16xi32>
      %select_n3A_350 = arith.select %eq3A_349, %get3A_13, %broadcast_in_dim3A_14 : vector<16xi1>, vector<16xi32>
      %swap3A_351 = arith.index_cast %add3A_333 : i32 to index
      %swap3A_352 = arith.constant 10 : index
      %swap3A_353 = tpu.vector_load %arg6[%swap3A_351, %swap3A_352] {strides = array<i32>} : memref<512x26xi32, #tpu.memory_space<vmem>>, vector<1x16xi32>,
      %swap3A_354 = vector.shape_cast %swap3A_353 : vector<1x16xi32> to vector<16xi32>
      %swap3A_355 = vector.shape_cast %select_n3A_350 : vector<16xi32> to vector<1x16xi32>
      tpu.vector_store %arg6[%swap3A_351, %swap3A_352], %swap3A_355 {strides = array<i32>} : memref<512x26xi32, #tpu.memory_space<vmem>>, vector<1x16xi32>,
      %add3A_356 = arith.constant 14 : i32
      %add3A_357 = arith.addi %mul3A_22, %add3A_356 : i32
      %get3A_358 = arith.index_cast %add3A_357 : i32 to index
      %get3A_359 = arith.constant 0 : index
      %get3A_360 = tpu.vector_load %arg6[%get3A_358, %get3A_359] {strides = array<i32>} : memref<512x26xi32, #tpu.memory_space<vmem>>, vector<1x16xi32>,
      %get3A_361 = vector.shape_cast %get3A_360 : vector<1x16xi32> to vector<16xi32>
      %get3A_362 = arith.index_cast %add3A_357 : i32 to index
      %get3A_363 = arith.constant 10 : index
      %get3A_364 = tpu.vector_load %arg6[%get3A_362, %get3A_363] {strides = array<i32>} : memref<512x26xi32, #tpu.memory_space<vmem>>, vector<1x16xi32>,
      %get3A_365 = vector.shape_cast %get3A_364 : vector<1x16xi32> to vector<16xi32>
      %eq3A_366 = arith.cmpi eq, %get3A_361, %get3A_10 : vector<16xi32>
      %select_n3A_367 = arith.select %eq3A_366, %get3A_13, %broadcast_in_dim3A_14 : vector<16xi1>, vector<16xi32>
      %swap3A_368 = arith.index_cast %add3A_357 : i32 to index
      %swap3A_369 = arith.constant 0 : index
      %swap3A_370 = tpu.vector_load %arg6[%swap3A_368, %swap3A_369] {strides = array<i32>} : memref<512x26xi32, #tpu.memory_space<vmem>>, vector<1x16xi32>,
      %swap3A_371 = vector.shape_cast %swap3A_370 : vector<1x16xi32> to vector<16xi32>
      %swap3A_372 = vector.shape_cast %select_n3A_367 : vector<16xi32> to vector<1x16xi32>
      tpu.vector_store %arg6[%swap3A_368, %swap3A_369], %swap3A_372 {strides = array<i32>} : memref<512x26xi32, #tpu.memory_space<vmem>>, vector<1x16xi32>,
      %eq3A_373 = arith.cmpi eq, %get3A_365, %get3A_10 : vector<16xi32>
      %select_n3A_374 = arith.select %eq3A_373, %get3A_13, %broadcast_in_dim3A_14 : vector<16xi1>, vector<16xi32>
      %swap3A_375 = arith.index_cast %add3A_357 : i32 to index
      %swap3A_376 = arith.constant 10 : index
      %swap3A_377 = tpu.vector_load %arg6[%swap3A_375, %swap3A_376] {strides = array<i32>} : memref<512x26xi32, #tpu.memory_space<vmem>>, vector<1x16xi32>,
      %swap3A_378 = vector.shape_cast %swap3A_377 : vector<1x16xi32> to vector<16xi32>
      %swap3A_379 = vector.shape_cast %select_n3A_374 : vector<16xi32> to vector<1x16xi32>
      tpu.vector_store %arg6[%swap3A_375, %swap3A_376], %swap3A_379 {strides = array<i32>} : memref<512x26xi32, #tpu.memory_space<vmem>>, vector<1x16xi32>,
      %add3A_380 = arith.constant 15 : i32
      %add3A_381 = arith.addi %mul3A_22, %add3A_380 : i32
      %get3A_382 = arith.index_cast %add3A_381 : i32 to index
      %get3A_383 = arith.constant 0 : index
      %get3A_384 = tpu.vector_load %arg6[%get3A_382, %get3A_383] {strides = array<i32>} : memref<512x26xi32, #tpu.memory_space<vmem>>, vector<1x16xi32>,
      %get3A_385 = vector.shape_cast %get3A_384 : vector<1x16xi32> to vector<16xi32>
      %get3A_386 = arith.index_cast %add3A_381 : i32 to index
      %get3A_387 = arith.constant 10 : index
      %get3A_388 = tpu.vector_load %arg6[%get3A_386, %get3A_387] {strides = array<i32>} : memref<512x26xi32, #tpu.memory_space<vmem>>, vector<1x16xi32>,
      %get3A_389 = vector.shape_cast %get3A_388 : vector<1x16xi32> to vector<16xi32>
      %eq3A_390 = arith.cmpi eq, %get3A_385, %get3A_10 : vector<16xi32>
      %select_n3A_391 = arith.select %eq3A_390, %get3A_13, %broadcast_in_dim3A_14 : vector<16xi1>, vector<16xi32>
      %swap3A_392 = arith.index_cast %add3A_381 : i32 to index
      %swap3A_393 = arith.constant 0 : index
      %swap3A_394 = tpu.vector_load %arg6[%swap3A_392, %swap3A_393] {strides = array<i32>} : memref<512x26xi32, #tpu.memory_space<vmem>>, vector<1x16xi32>,
      %swap3A_395 = vector.shape_cast %swap3A_394 : vector<1x16xi32> to vector<16xi32>
      %swap3A_396 = vector.shape_cast %select_n3A_391 : vector<16xi32> to vector<1x16xi32>
      tpu.vector_store %arg6[%swap3A_392, %swap3A_393], %swap3A_396 {strides = array<i32>} : memref<512x26xi32, #tpu.memory_space<vmem>>, vector<1x16xi32>,
      %eq3A_397 = arith.cmpi eq, %get3A_389, %get3A_10 : vector<16xi32>
      %select_n3A_398 = arith.select %eq3A_397, %get3A_13, %broadcast_in_dim3A_14 : vector<16xi1>, vector<16xi32>
      %swap3A_399 = arith.index_cast %add3A_381 : i32 to index
      %swap3A_400 = arith.constant 10 : index
      %swap3A_401 = tpu.vector_load %arg6[%swap3A_399, %swap3A_400] {strides = array<i32>} : memref<512x26xi32, #tpu.memory_space<vmem>>, vector<1x16xi32>,
      %swap3A_402 = vector.shape_cast %swap3A_401 : vector<1x16xi32> to vector<16xi32>
      %swap3A_403 = vector.shape_cast %select_n3A_398 : vector<16xi32> to vector<1x16xi32>
      tpu.vector_store %arg6[%swap3A_399, %swap3A_400], %swap3A_403 {strides = array<i32>} : memref<512x26xi32, #tpu.memory_space<vmem>>, vector<1x16xi32>,
    }
    %scan3A_19 = arith.constant 32 : i32
    "tpu.region"() ({
      %run_scoped3A = tpu.sem_alloc : memref<!tpu.dma_semaphore, #tpu.memory_space<semaphore_mem>>
      %dma_start3A_20 = arith.constant 0 : i32
      %dma_start3A_21 = tpu.memref_slice %arg5[%mul3A_2, %dma_start3A_20] : memref<16384x26xi32, #tpu.memory_space<hbm>> -> memref<512x26xi32, #tpu.memory_space<hbm>>
      %dma_start3A_22 = arith.constant 0 : i32
      %dma_start3A_23 = tpu.memref_slice %arg5[%mul3A_2, %dma_start3A_22] : memref<16384x26xi32, #tpu.memory_space<hbm>> -> memref<512x26xi32, #tpu.memory_space<hbm>>
      tpu.enqueue_dma source(%arg6 : memref<512x26xi32, #tpu.memory_space<vmem>>) target(%dma_start3A_23 : memref<512x26xi32, #tpu.memory_space<hbm>>) target_semaphore(%run_scoped3A : memref<!tpu.dma_semaphore, #tpu.memory_space<semaphore_mem>>)
      %dma_wait3A_24 = arith.constant 0 : i32
      %dma_wait3A_25 = tpu.memref_slice %arg5[%mul3A_2, %dma_wait3A_24] : memref<16384x26xi32, #tpu.memory_space<hbm>> -> memref<512x26xi32, #tpu.memory_space<hbm>>
      %dma_wait3A_26 = arith.constant 0 : i32
      %dma_wait3A_27 = tpu.memref_slice %arg5[%mul3A_2, %dma_wait3A_26] : memref<16384x26xi32, #tpu.memory_space<hbm>> -> memref<512x26xi32, #tpu.memory_space<hbm>>
      tpu.wait_dma2 semaphore(%run_scoped3A : memref<!tpu.dma_semaphore, #tpu.memory_space<semaphore_mem>>) src(%arg6 : memref<512x26xi32, #tpu.memory_space<vmem>>) dst(%dma_wait3A_27 : memref<512x26xi32, #tpu.memory_space<hbm>>)
      tpu.yield
    }) : () -> ()
    return
  }
}

</mosaic_0001>

<sc_bundles>
// kernel: kernel.3.cloned.1.call-start
scs
__scs_entry_jumppad:
0x0: {  	(pc) =	sbr.rel $0x88, $3  }
0x1: {  	(tag) =	ssettag $0x0;
	lr =	simm.s32 $0x1  }
0x2: {  	[smem:$0x3F9E] =	sst lr;
	_ =	strace $0xD0000000  }
0x3: {  	_ = 	snop  }
0x4: {  	_ = 	snop  }
0x5: {  	_ = 	snop  }
0x6: {  	_ = 	snop  }
0x7: {  	_ = 	snop  }
__scs_overlays_trampoline_lowered:
0x8: {  	[smem:$0x3FAD] =	sst s0  }
0x9: {  	[smem:$0x3FAE] =	sst s1  }
0xa: {  	[smem:$0x3FAF] =	sst s2  }
0xb: {  	[smem:$0x3FB0] =	sst s3  }
0xc: {  	[smem:$0x3FB1] =	sst s4  }
0xd: {  	[smem:$0x3FB2] =	sst s5  }
0xe: {  	[smem:$0x3FB3] =	sst s6  }
0xf: {  	[smem:$0x3FB4] =	sst s7  }
0x10: {  	[smem:$0x3FB5] =	sst s8  }
0x11: {  	[smem:$0x3FB6] =	sst s9;
	s0 =	simm.s32 @!p0 $0x0  }
0x12: {  	s1 =	sld [smem:$0x3F9C];
	s0 =	simm.s32 @p0 $0x1  }
0x13: {  	[smem:$0x3FB7] =	sst s0;
	s0 =	simm.s32 @!p1 $0x0  }
0x14: {  	s2 =	sld [smem:$0x3F9B];
	s0 =	simm.s32 @p1 $0x1  }
0x15: {  	[smem:$0x3FB8] =	sst s0;
	s0 =	simm.s32 @!p2 $0x0  }
0x16: {  	s3 =	sld [smem:$0x3FDB];
	s0 =	simm.s32 @p2 $0x1  }
0x17: {  	s4 =	simm.s32 $0x1BF5;
	[smem:$0x3FBA] =	sst s0  }
0x18: {  	s0 =	sld [smem:$0x3F9D];
	_ =	swait.ge [sflag:s4], $0x0  }
0x19: {  	s7 =	sld [smem:$0x3F9E]  }
0x1a: {  	s8 =	sadd.s32 $0xFFFFE003, lr  }
0x1b: {  	s9 =	sadd.s32 $0xFFFFFEF7, lr;
	s5 =	simm.s32 $0xFFFFFFFF;
	p2 =	slt.u32 s8, $0xFFFFF086  }
0x1c: {  	p1 =	slt.u32 s9, $0xF7A;
	s5 =	simm.s32 @!p2 $0x0  }
0x1d: {  	s5 =	simm.s32 @p1 $0x1;
	p0 =	seq.s32 s7, s2  }
0x1e: {  	s7 =	smul.u32 @!p0 $0xF7A, s2;
	p2 =	seq.s32 @!p0 s5, $0x0  }
0x1f: {  	s9 =	smul.u32 $0xF7A, s1;
	s8 =	simm.s32 @!p0 $0x1BF5;
	p2 =	por !p2, p0  }
0x20: {  	[sflag:s8] =	ssyncset.s32 @!p0 $0xFFFFF086;
	s6 =	sadd.s32 @!p0 s3, s7;
	s7 =	simm.s32 @!p0 $0x108  }
0x21: {  	s3 =	sadd.s32 s3, s9;
	s6 =	sadd.s32 @!p0 $0x88, s6;
	s7 =	simm.s32 @p2 $0x1082  }
0x22: {  	[simem:s7], [sflag:s8] =	dma.local @!p0 [hbm:s6], $0xF7A  }
0x23: {  	s9 =	sor.u32 $0xD0000000, s2;
	s6 =	simm.s32 $0x108;
	_ =	swait.ge @!p0 [sflag:s8], $0x0  }
0x24: {  	s3 =	sadd.s32 $0x88, s3;
	s6 =	simm.s32 @!p1 $0x1082;
	[sflag:s4] =	ssyncset.s32 $0xFFFFF086  }
0x25: {  	[simem:s6], [sflag:s4] =	dma.local [hbm:s3], $0xF7A  }
0x26: {  	[smem:$0x3F9E] =	sst s1;
	(tag) =	ssettag s2;
	_ =	strace s9  }
0x27: {  	s1 =	sld [smem:$0x3FAE]  }
0x28: {  	s2 =	sld [smem:$0x3FAF]  }
0x29: {  	s4 =	sld [smem:$0x3FB1]  }
0x2a: {  	p0 =	seq.s32 s5, $0x0;
	s5 =	sld [smem:$0x3FB2]  }
0x2b: {  	s6 =	sld [smem:$0x3FB3]  }
0x2c: {  	s7 =	sld [smem:$0x3FB4]  }
0x2d: {  	s3 =	simm.s32 $0x108;
	s8 =	sld [smem:$0x3FB5]  }
0x2e: {  	s3 =	simm.s32 @!p0 $0x1082;
	s9 =	sld [smem:$0x3FB6]  }
0x2f: {  	lr =	sadd.s32 s0, s3;
	s0 =	sld [smem:$0x3FAD]  }
0x30: {  	s3 =	sld [smem:$0x3FB0]  }
0x31: {  	[smem:$0x3FB9] =	sst s10  }
0x32: {  	s10 =	sld [smem:$0x3FB7];
	_ =	sdelay $0x3  }
0x33: {  	p0 =	seq.s32 s10, $0x1;
	s10 =	sld [smem:$0x3FB9];
	_ =	sdelay $0x3  }
0x34: {  	[smem:$0x3FB9] =	sst s10  }
0x35: {  	s10 =	sld [smem:$0x3FB8];
	_ =	sdelay $0x3  }
0x36: {  	p1 =	seq.s32 s10, $0x1;
	s10 =	sld [smem:$0x3FB9];
	_ =	sdelay $0x3  }
0x37: {  	[smem:$0x3FB9] =	sst s10  }
0x38: {  	s10 =	sld [smem:$0x3FBA]  }
0x39: {  	_ = 	snop;
	(pc) =	sbr.ind lr, $3  }
0x3a: {  	_ = 	snop  }
0x3b: {  	_ = 	snop  }
0x3c: {  	p2 =	seq.s32 s10, $0x1;
	s10 =	sld [smem:$0x3FB9]  }
0x3d: {  	_ =	shalt  }
0x3e: {  	_ =	shalt  }
0x3f: {  	_ =	shalt  }
0x40: {  	_ =	shalt  }
0x41: {  	_ =	shalt  }
0x42: {  	_ =	shalt  }
0x43: {  	_ =	shalt  }
0x44: {  	_ =	shalt  }
0x45: {  	_ =	shalt  }
0x46: {  	_ =	shalt  }
0x47: {  	_ =	shalt  }
0x48: {  	_ =	shalt  }
0x49: {  	_ =	shalt  }
0x4a: {  	_ =	shalt  }
0x4b: {  	_ =	shalt  }
0x4c: {  	_ =	shalt  }
0x4d: {  	_ =	shalt  }
0x4e: {  	_ =	shalt  }
0x4f: {  	_ =	shalt  }
0x50: {  	_ =	shalt  }
0x51: {  	_ =	shalt  }
0x52: {  	_ =	shalt  }
0x53: {  	_ =	shalt  }
0x54: {  	_ =	shalt  }
0x55: {  	_ =	shalt  }
0x56: {  	_ =	shalt  }
0x57: {  	_ =	shalt  }
0x58: {  	_ =	shalt  }
0x59: {  	_ =	shalt  }
0x5a: {  	_ =	shalt  }
0x5b: {  	_ =	shalt  }
0x5c: {  	_ =	shalt  }
0x5d: {  	_ =	shalt  }
0x5e: {  	_ =	shalt  }
0x5f: {  	_ =	shalt  }
0x60: {  	_ =	shalt  }
0x61: {  	_ =	shalt  }
0x62: {  	_ =	shalt  }
0x63: {  	_ =	shalt  }
0x64: {  	_ =	shalt  }
0x65: {  	_ =	shalt  }
0x66: {  	_ =	shalt  }
0x67: {  	_ =	shalt  }
0x68: {  	_ =	shalt  }
0x69: {  	_ =	shalt  }
0x6a: {  	_ =	shalt  }
0x6b: {  	_ =	shalt  }
0x6c: {  	_ =	shalt  }
0x6d: {  	_ =	shalt  }
0x6e: {  	_ =	shalt  }
0x6f: {  	_ =	shalt  }
0x70: {  	_ =	shalt  }
0x71: {  	_ =	shalt  }
0x72: {  	_ =	shalt  }
0x73: {  	_ =	shalt  }
0x74: {  	_ =	shalt  }
0x75: {  	_ =	shalt  }
0x76: {  	_ =	shalt  }
0x77: {  	_ =	shalt  }
0x78: {  	_ =	shalt  }
0x79: {  	_ =	shalt  }
0x7a: {  	_ =	shalt  }
0x7b: {  	_ =	shalt  }
0x7c: {  	_ =	shalt  }
0x7d: {  	_ =	shalt  }
0x7e: {  	_ =	shalt  }
0x7f: {  	_ =	shalt  }
0x80: {  	_ =	shalt  }
0x81: {  	_ =	shalt  }
0x82: {  	_ =	shalt  }
0x83: {  	_ =	shalt  }
0x84: {  	_ =	shalt  }
0x85: {  	_ =	shalt  }
0x86: {  	_ =	shalt  }
0x87: {  	_ =	shalt  }
.Lfunc_end0:
.L_simem_size_0:
called_computation_lowered:
.L_overlay_start_0:
0x88: {  	s2 =	sld [smem:$0x3FD9]  }
0x89: {  	s3 =	sld [smem:$0x3FFE];
	_ =	sdelay $0x1  }
0x8a: {  	s1 =	srdreg.scid  }
0x8b: {  	s0 =	sand.u32 $0x1, s1  }
0x8c: {  	s17 =	sshll.u32 s0, $0xA;
	s2 =	sadd.s32 s3, s2  }
0x8d: {  	s2 =	sadd.s32 s2, s17  }
0x8e: {  	[smem:$0x3FC5] =	sst s2  }
0x8f: {  	_ = 	snop  }
0x90: {  	s2 =	sld [smem:$0x3FD0];
	(tm) =	ssettm $0x1  }
0x91: {  	s18 =	sld [smem:$0x3FFB];
	_ =	sdelay $0x3  }
0x92: {  	_ =	strace s18  }
0x93: {  	s3 =	sld [smem:$0x3FFC];
	_ =	sdelay $0x3  }
0x94: {  	_ =	strace s3  }
0x95: {  	s3 =	sld [smem:$0x3FFD];
	_ =	sdelay $0x3  }
0x96: {  	_ =	strace s3  }
0x97: {  	_ =	strace $0x8FFFFFFF  }
0x98: {  	s19 =	sld [smem:$0x3FDB];
	_ =	sdelay $0x1  }
0x99: {  	s4 =	simm.s32 $_scs_section_size  }
0x9a: {  	s5 =	simm.s32 $_size__tile_overlayer_lowered;
	s6 =	simm.s32 $_tile_overlayer_lowered  }
0x9b: {  	s22 =	simm.s32 $0x1BFF;
	s21 =	sshll.u32 s6, $0x1;
	s3 =	sadd.s32 s4, s19  }
0x9c: {  	s7 =	simm.s32 $0x0;
	s20 =	sshll.u32 s5, $0x1;
	s5 =	sadd.s32 s21, s3  }
0x9d: {  	[timem:s7], [sflag:s22] =	dma.local [hbm:s5], s20  }
0x9e: {  	_ =	swait.ge [sflag:s22], s20  }
0x9f: {  	s4 =	ssub.s32 $0x0, s20;
	[sflag:s22] =	ssyncset.done $0x0  }
0xa0: {  	[sflag:s22] =	ssyncadd.s32 s4;
	_ =	sdelay $0x1  }
0xa1: {  	s23 =	simm.s32 $0x1B8B  }
0xa2: {  	_ =	swait.ge [sflag:s23], $0x1  }
0xa3: {  	[sflag:s23] =	ssyncset.done $0x0  }
0xa4: {  	s25 =	simm.s32 $0x1B8E;
	s24 =	sld [smem:$0x3FFE];
	[sflag:s23] =	ssyncadd.s32 $0xFFFFFFFF  }
0xa5: {  	s26 =	simm.s32 $execute0_lowered;
	[smem:$0x3FD2] =	sst s25  }
0xa6: {  	s5 =	sshll.u32 s26, $0x1;
	_ =	strace $0x80000046;
	[dreg:$0x1] =	wrdreg $0xFFFFFFFF  }
0xa7: {  	s28 =	simm.s32 $_size_execute0_lowered;
	s3 =	sadd.s32 s3, s5;
	[dreg:$0x0] =	wrdreg $0x0  }
0xa8: {  	s5 =	sshll.u32 s28, $0x1;
	[dreg:$0x2] =	wrdreg s3  }
0xa9: {  	[dreg:$0x3] =	wrdreg s5  }
0xaa: {  	[dreg:$0x4] =	wrdreg $0xC0  }
0xab: {  	_ =	task [dreg:s7], $0x5FFFF  }
0xac: {  	[dreg:$0x1] =	wrdreg $0xFFFFFFFF  }
0xad: {  	[dreg:$0x0] =	wrdreg $0x60  }
0xae: {  	[dreg:$0x2] =	wrdreg s24  }
0xaf: {  	[dreg:$0x3] =	wrdreg s2  }
0xb0: {  	[dreg:$0x4] =	wrdreg $0x9  }
0xb1: {  	_ =	task.clear_ibuf [dreg:s7], $0x5FFFF;
	_ =	strace $0x90000046  }
0xb2: {  	s29 =	simm.s32 $0x9;
	_ =	strace $0x80000048  }
0xb3: {  	_ =	swait.ge [sflag:s29], $0x1  }
0xb4: {  	[sflag:s29] =	ssyncadd.s32 $0xFFFFFFFF  }
0xb5: {  	_ =	strace $0x90000048  }
0xb6: {  	_ =	sfence  }
0xb7: {  	s30 =	sld [smem:$0x0];
	_ =	sdelay $0x2  }
0xb8: {  	s31 =	sshll.u32 s1, $0xD;
	s1 =	sshrl.u32 s1, $0x2  }
0xb9: {  	s3 =	sand.u32 $0x4000, s31;
	s1 =	sadd.s32 s1, s30  }
0xba: {  	s0 =	sor.u32 s3, s0;
	s1 =	sshll.u32 s1, $0x11  }
0xbb: {  	s0 =	sor.u32 s1, s0  }
0xbc: {  	s0 =	sadd.s32 $0x8F2B, s0  }
0xbd: {  	[sflag:s0] =	ssyncadd.remote.s32 $0x1  }
0xbe: {  	_ =	sfence.sel $0xFFFF  }
0xbf: {  	[dreg:$0x0] =	wrdreg $0xFFFFFFFF;
	(pc) =	sbr.abs _section_cstart, $3  }
0xc0: {  	[dreg:$0x1] =	wrdreg $0xFFFFFFFF  }
0xc1: {  	_ =	task.clear_ibuf [dreg:s7], $0x2FFFF;
	_ =	strace $0x9FFFFFFF  }
0xc2: {  	(tm) =	ssettm $0x7FFFFFFF  }
0xc3: {  	_ =	shalt  }
tec
execute0_lowered:
.L_overlay_start_1:
0x0: {  	(tag) =	ssettag $0x1  }
0x1: {  	s5 =	rddreg [dreg:$0x0]  }
0x2: {  	s2 =	rddreg [dreg:$0x1]  }
0x3: {  	s0 =	rddreg [dreg:$0x2];
	s4 =	srdreg.scid  }
0x4: {  	s3 =	simm.s32 $0x0;
	s1 =	stileid.u32;
	s8 =	simm.s32 $0x10000  }
0x5: {  	s9 =	simm.s32 $0x10080;
	s10 =	simm.s32 $0x1;
	s11 =	simm.s32 $0x2  }
0x6: {  	s12 =	simm.s32 $0x0;
	s4 =	sand.u32 $0x1, s4;
	[smem:$0x7FF] =	sst s3  }
0x7: {  	s6 =	sshll.u32 s1, $0xE;
	s7 =	sshll.u32 s4, $0xD;
	s30 =	ssub.s32 $0x2, s4  }
0x8: {  	_ =	strace $0x80000047;
	s6 =	sor.u32 s7, s6;
	s31 =	sshrl.u32 s30, $0x1  }
0x9: {  	s4 =	sadd.s32 $0x40600, s5;
	s6 =	sadd.s32 s6, s5;
	s7 =	ssub.s32 s30, s31  }
0xa: {  	s5 =	sadd.s32 $0x600, s6;
	s6 =	sadd.s32 $0x40800, s6;
	s7 =	smax.u32 s7, $0x1  }
.LBB2_1:
0xb: {  	[tilespmem:s3], [sflag:$0x1] =	stream.linear.gather [hbm4b:s5+s3], $0x10000, $0x38;
	[tilespmem:$0x10100] =	vst v63  }
0xc: {  	_ = 	snop  }
0xd: {  	[tilespmem:s8], [sflag:$0x1] =	stream.linear.gather [hbm4b:s4+s3], $0x80, $0x38;
	[tilespmem:$0x10100] =	vst v63  }
0xe: {  	_ = 	snop  }
0xf: {  	[tilespmem:s9], [sflag:$0x1] =	stream.linear.gather [hbm4b:s2+s3], $0x80, $0x38;
	[tilespmem:$0x10100] =	vst v63  }
0x10: {  	_ =	swait.ge [sflag:s10], $0x10000  }
0x11: {  	[sflag:s10] =	ssyncset.done $0x0  }
0x12: {  	[sflag:s10] =	ssyncadd.s32 $0xFFFF0000  }
0x13: {  	_ =	swait.ge [sflag:s10], $0x80  }
0x14: {  	[sflag:s10] =	ssyncset.done $0x0  }
0x15: {  	[sflag:s10] =	ssyncadd.s32 $0xFFFFFF80  }
0x16: {  	_ =	swait.ge [sflag:s10], $0x80  }
0x17: {  	[sflag:s10] =	ssyncset.done $0x0  }
0x18: {  	[sflag:s10] =	ssyncadd.s32 $0xFFFFFF80  }
0x19: {  	v1 =	vld [tilespmem:$0x10000]  }
0x1a: {  	s13 =	simm.s32 $0x0;
	v0 =	vld [tilespmem:$0x10080]  }
0x1b: {  	v2 =	vld [tilespmem:s13+$0x0]  }
0x1c: {  	v3 =	vld [tilespmem:s13+$0xA]  }
0x1d: {  	v4 =	vld [tilespmem:s13+$0x80]  }
0x1e: {  	v5 =	vld [tilespmem:s13+$0x8A]  }
0x1f: {  	v6 =	vld [tilespmem:s13+$0x100]  }
0x20: {  	vm0 =	veq.s32 v2, v1;
	v2 =	vld [tilespmem:s13+$0x10A]  }
0x21: {  	v8 =	vld [tilespmem:s13+$0x180];
	v7 =	vnsel vm0, $0x0, v0;
	vm0 =	veq.s32 v3, v1  }
0x22: {  	[tilespmem:s13+$0x0] =	vst v7;
	v3 =	vnsel vm0, $0x0, v0;
	v7 =	vld [tilespmem:s13+$0x18A];
	vm0 =	veq.s32 v4, v1  }
0x23: {  	v4 =	vld [tilespmem:s13+$0x200];
	[tilespmem:s13+$0xA] =	vst v3;
	v3 =	vnsel vm0, $0x0, v0;
	vm0 =	veq.s32 v5, v1  }
0x24: {  	v5 =	vld [tilespmem:s13+$0x20A];
	[tilespmem:s13+$0x80] =	vst v3;
	v3 =	vnsel vm0, $0x0, v0;
	vm0 =	veq.s32 v6, v1  }
0x25: {  	v6 =	vld [tilespmem:s13+$0x280];
	[tilespmem:s13+$0x8A] =	vst v3;
	v3 =	vnsel vm0, $0x0, v0;
	vm0 =	veq.s32 v2, v1  }
0x26: {  	[tilespmem:s13+$0x100] =	vst v3;
	v2 =	vnsel vm0, $0x0, v0;
	v3 =	vld [tilespmem:s13+$0x28A];
	vm0 =	veq.s32 v8, v1  }
0x27: {  	v8 =	vld [tilespmem:s13+$0x300];
	[tilespmem:s13+$0x10A] =	vst v2;
	v2 =	vnsel vm0, $0x0, v0;
	vm0 =	veq.s32 v7, v1  }
0x28: {  	v7 =	vld [tilespmem:s13+$0x30A];
	[tilespmem:s13+$0x180] =	vst v2;
	v2 =	vnsel vm0, $0x0, v0;
	vm0 =	veq.s32 v4, v1  }
0x29: {  	v4 =	vld [tilespmem:s13+$0x380];
	[tilespmem:s13+$0x18A] =	vst v2;
	v2 =	vnsel vm0, $0x0, v0;
	vm0 =	veq.s32 v5, v1  }
0x2a: {  	v5 =	vld [tilespmem:s13+$0x38A];
	[tilespmem:s13+$0x200] =	vst v2;
	v2 =	vnsel vm0, $0x0, v0;
	vm0 =	veq.s32 v6, v1  }
0x2b: {  	v6 =	vld [tilespmem:s13+$0x400];
	[tilespmem:s13+$0x20A] =	vst v2;
	v2 =	vnsel vm0, $0x0, v0;
	vm0 =	veq.s32 v3, v1  }
0x2c: {  	v3 =	vld [tilespmem:s13+$0x40A];
	[tilespmem:s13+$0x280] =	vst v2;
	v2 =	vnsel vm0, $0x0, v0;
	vm0 =	veq.s32 v8, v1  }
0x2d: {  	v8 =	vld [tilespmem:s13+$0x480];
	[tilespmem:s13+$0x28A] =	vst v2;
	v2 =	vnsel vm0, $0x0, v0;
	vm0 =	veq.s32 v7, v1  }
0x2e: {  	v7 =	vld [tilespmem:s13+$0x48A];
	[tilespmem:s13+$0x300] =	vst v2;
	v2 =	vnsel vm0, $0x0, v0;
	vm0 =	veq.s32 v4, v1  }
0x2f: {  	v4 =	vld [tilespmem:s13+$0x500];
	[tilespmem:s13+$0x30A] =	vst v2;
	v2 =	vnsel vm0, $0x0, v0;
	vm0 =	veq.s32 v5, v1  }
0x30: {  	v5 =	vld [tilespmem:s13+$0x50A];
	[tilespmem:s13+$0x380] =	vst v2;
	v2 =	vnsel vm0, $0x0, v0;
	vm0 =	veq.s32 v6, v1  }
0x31: {  	v6 =	vld [tilespmem:s13+$0x580];
	[tilespmem:s13+$0x38A] =	vst v2;
	v2 =	vnsel vm0, $0x0, v0;
	vm0 =	veq.s32 v3, v1  }
0x32: {  	v9 =	vld [tilespmem:s13+$0x58A];
	[tilespmem:s13+$0x400] =	vst v2;
	v2 =	vnsel vm0, $0x0, v0;
	vm0 =	veq.s32 v8, v1  }
0x33: {  	v8 =	vld [tilespmem:s13+$0x600];
	[tilespmem:s13+$0x40A] =	vst v2;
	v2 =	vnsel vm0, $0x0, v0;
	vm0 =	veq.s32 v7, v1  }
0x34: {  	v10 =	vld [tilespmem:s13+$0x60A];
	[tilespmem:s13+$0x480] =	vst v2;
	v2 =	vnsel vm0, $0x0, v0;
	vm0 =	veq.s32 v4, v1  }
0x35: {  	v3 =	vld [tilespmem:s13+$0x680];
	[tilespmem:s13+$0x48A] =	vst v2;
	v2 =	vnsel vm0, $0x0, v0;
	vm0 =	veq.s32 v5, v1  }
0x36: {  	[tilespmem:s13+$0x500] =	vst v2;
	v4 =	vnsel vm0, $0x0, v0;
	v2 =	vld [tilespmem:s13+$0x68A];
	vm0 =	veq.s32 v6, v1  }
0x37: {  	[tilespmem:s13+$0x50A] =	vst v4;
	v5 =	vnsel vm0, $0x0, v0;
	v4 =	vld [tilespmem:s13+$0x700];
	vm0 =	veq.s32 v9, v1  }
0x38: {  	[tilespmem:s13+$0x580] =	vst v5;
	v6 =	vnsel vm0, $0x0, v0;
	v5 =	vld [tilespmem:s13+$0x70A];
	vm0 =	veq.s32 v8, v1  }
0x39: {  	s14 =	simm.s32 $0x2000;
	[tilespmem:s13+$0x58A] =	vst v6;
	v7 =	vnsel vm0, $0x0, v0;
	vm0 =	veq.s32 v10, v1;
	v6 =	vld [tilespmem:s13+$0x780]  }
.LBB2_2:
0x3a: {  	s15 =	sshra.s32 s14, $0x2;
	p0 =	sne.s32 s14, $0x3E000;
	[tilespmem:s13+$0x600] =	vst v7;
	v7 =	vnsel vm0, $0x0, v0;
	vm0 =	veq.s32 v3, v1;
	v3 =	vld [tilespmem:s13+$0x78A]  }
0x3b: {  	v8 =	vld [tilespmem:s15+$0x0];
	[tilespmem:s13+$0x60A] =	vst v7;
	v7 =	vnsel vm0, $0x0, v0;
	vm0 =	veq.s32 v2, v1  }
0x3c: {  	v2 =	vld [tilespmem:s15+$0xA];
	[tilespmem:s13+$0x680] =	vst v7;
	v7 =	vnsel vm0, $0x0, v0;
	vm0 =	veq.s32 v4, v1  }
0x3d: {  	v4 =	vld [tilespmem:s15+$0x80];
	[tilespmem:s13+$0x68A] =	vst v7;
	v7 =	vnsel vm0, $0x0, v0;
	vm0 =	veq.s32 v5, v1  }
0x3e: {  	v5 =	vld [tilespmem:s15+$0x8A];
	[tilespmem:s13+$0x700] =	vst v7;
	v7 =	vnsel vm0, $0x0, v0;
	vm0 =	veq.s32 v6, v1  }
0x3f: {  	v6 =	vld [tilespmem:s15+$0x100];
	[tilespmem:s13+$0x70A] =	vst v7;
	v7 =	vnsel vm0, $0x0, v0;
	vm0 =	veq.s32 v3, v1  }
0x40: {  	vm1 =	veq.s32 v8, v1;
	v3 =	vld [tilespmem:s15+$0x10A];
	[tilespmem:s13+$0x780] =	vst v7;
	v7 =	vnsel vm0, $0x0, v0  }
0x41: {  	v8 =	vnsel vm1, $0x0, v0;
	vm0 =	veq.s32 v2, v1;
	v2 =	vld [tilespmem:s15+$0x180];
	[tilespmem:s13+$0x78A] =	vst v7;
	s13 =	smov.u32 s15  }
0x42: {  	[tilespmem:s13+$0x0] =	vst v8;
	v7 =	vnsel vm0, $0x0, v0;
	vm0 =	veq.s32 v4, v1;
	v4 =	vld [tilespmem:s13+$0x18A]  }
0x43: {  	[tilespmem:s13+$0xA] =	vst v7;
	v7 =	vnsel vm0, $0x0, v0;
	vm0 =	veq.s32 v5, v1;
	v5 =	vld [tilespmem:s13+$0x200]  }
0x44: {  	[tilespmem:s13+$0x80] =	vst v7;
	v7 =	vnsel vm0, $0x0, v0;
	vm0 =	veq.s32 v6, v1;
	v6 =	vld [tilespmem:s13+$0x20A]  }
0x45: {  	[tilespmem:s13+$0x8A] =	vst v7;
	v7 =	vnsel vm0, $0x0, v0;
	vm0 =	veq.s32 v3, v1;
	v3 =	vld [tilespmem:s13+$0x280]  }
0x46: {  	[tilespmem:s13+$0x100] =	vst v7;
	v7 =	vnsel vm0, $0x0, v0;
	vm0 =	veq.s32 v2, v1;
	v2 =	vld [tilespmem:s13+$0x28A]  }
0x47: {  	[tilespmem:s13+$0x10A] =	vst v7;
	v7 =	vnsel vm0, $0x0, v0;
	vm0 =	veq.s32 v4, v1;
	v4 =	vld [tilespmem:s13+$0x300]  }
0x48: {  	[tilespmem:s13+$0x180] =	vst v7;
	v7 =	vnsel vm0, $0x0, v0;
	vm0 =	veq.s32 v5, v1;
	v5 =	vld [tilespmem:s13+$0x30A]  }
0x49: {  	[tilespmem:s13+$0x18A] =	vst v7;
	v7 =	vnsel vm0, $0x0, v0;
	vm0 =	veq.s32 v6, v1;
	v6 =	vld [tilespmem:s13+$0x380]  }
0x4a: {  	[tilespmem:s13+$0x200] =	vst v7;
	v7 =	vnsel vm0, $0x0, v0;
	vm0 =	veq.s32 v3, v1;
	v3 =	vld [tilespmem:s13+$0x38A]  }
0x4b: {  	[tilespmem:s13+$0x20A] =	vst v7;
	v7 =	vnsel vm0, $0x0, v0;
	vm0 =	veq.s32 v2, v1;
	v2 =	vld [tilespmem:s13+$0x400]  }
0x4c: {  	[tilespmem:s13+$0x280] =	vst v7;
	v7 =	vnsel vm0, $0x0, v0;
	vm0 =	veq.s32 v4, v1;
	v4 =	vld [tilespmem:s13+$0x40A]  }
0x4d: {  	[tilespmem:s13+$0x28A] =	vst v7;
	v7 =	vnsel vm0, $0x0, v0;
	vm0 =	veq.s32 v5, v1;
	v5 =	vld [tilespmem:s13+$0x480]  }
0x4e: {  	[tilespmem:s13+$0x300] =	vst v7;
	v7 =	vnsel vm0, $0x0, v0;
	vm0 =	veq.s32 v6, v1;
	v6 =	vld [tilespmem:s13+$0x48A]  }
0x4f: {  	[tilespmem:s13+$0x30A] =	vst v7;
	v7 =	vnsel vm0, $0x0, v0;
	vm0 =	veq.s32 v3, v1;
	v3 =	vld [tilespmem:s13+$0x500]  }
0x50: {  	[tilespmem:s13+$0x380] =	vst v7;
	v7 =	vnsel vm0, $0x0, v0;
	vm0 =	veq.s32 v2, v1;
	v2 =	vld [tilespmem:s13+$0x50A]  }
0x51: {  	[tilespmem:s13+$0x38A] =	vst v7;
	v7 =	vnsel vm0, $0x0, v0;
	vm0 =	veq.s32 v4, v1;
	v4 =	vld [tilespmem:s13+$0x580]  }
0x52: {  	[tilespmem:s13+$0x400] =	vst v7;
	v7 =	vnsel vm0, $0x0, v0;
	vm0 =	veq.s32 v5, v1;
	v5 =	vld [tilespmem:s13+$0x58A]  }
0x53: {  	[tilespmem:s13+$0x40A] =	vst v7;
	v7 =	vnsel vm0, $0x0, v0;
	vm0 =	veq.s32 v6, v1;
	v6 =	vld [tilespmem:s13+$0x600]  }
0x54: {  	[tilespmem:s13+$0x480] =	vst v7;
	v7 =	vnsel vm0, $0x0, v0;
	vm0 =	veq.s32 v3, v1;
	v8 =	vld [tilespmem:s13+$0x60A]  }
.Ltmp0:
0x55: {  	[tilespmem:s13+$0x48A] =	vst v7;
	v7 =	vnsel vm0, $0x0, v0;
	vm0 =	veq.s32 v2, v1;
	v3 =	vld [tilespmem:s13+$0x680];
	(pc) =	sbr.rel @p0 .LBB2_2-.Ltmp0, $4  }
0x56: {  	[tilespmem:s13+$0x500] =	vst v7;
	v7 =	vnsel vm0, $0x0, v0;
	vm0 =	veq.s32 v4, v1;
	v2 =	vld [tilespmem:s13+$0x68A]  }
0x57: {  	[tilespmem:s13+$0x50A] =	vst v7;
	v7 =	vnsel vm0, $0x0, v0;
	vm0 =	veq.s32 v5, v1;
	v4 =	vld [tilespmem:s13+$0x700]  }
0x58: {  	[tilespmem:s13+$0x580] =	vst v7;
	v7 =	vnsel vm0, $0x0, v0;
	vm0 =	veq.s32 v6, v1;
	v5 =	vld [tilespmem:s13+$0x70A]  }
0x59: {  	s14 =	sadd.s32 $0x2000, s14;
	[tilespmem:s13+$0x58A] =	vst v7;
	v7 =	vnsel vm0, $0x0, v0;
	vm0 =	veq.s32 v8, v1;
	v6 =	vld [tilespmem:s13+$0x780]  }
0x5a: {  	[tilespmem:s13+$0x600] =	vst v7;
	v57 =	vnsel vm0, $0x0, v0;
	vm10 =	veq.s32 v3, v1;
	v58 =	vld [tilespmem:s13+$0x78A]  }
0x5b: {  	[tilespmem:s13+$0x60A] =	vst v57;
	v59 =	vnsel vm10, $0x0, v0;
	vm11 =	veq.s32 v2, v1  }
0x5c: {  	[tilespmem:s13+$0x680] =	vst v59;
	v2 =	vnsel vm11, $0x0, v0;
	vm12 =	veq.s32 v4, v1  }
0x5d: {  	[tilespmem:s13+$0x68A] =	vst v2;
	v60 =	vnsel vm12, $0x0, v0;
	vm13 =	veq.s32 v5, v1  }
0x5e: {  	[tilespmem:s13+$0x700] =	vst v60;
	v61 =	vnsel vm13, $0x0, v0;
	vm14 =	veq.s32 v6, v1  }
0x5f: {  	s12 =	sadd.s32 $0x1, s12;
	[tilespmem:s13+$0x70A] =	vst v61;
	v62 =	vnsel vm14, $0x0, v0;
	vm15 =	veq.s32 v58, v1  }
0x60: {  	p0 =	sne.s32 s12, s7;
	[tilespmem:s13+$0x780] =	vst v62;
	v63 =	vnsel vm15, $0x0, v0  }
.Ltmp1:
0x61: {  	[tilespmem:s13+$0x78A] =	vst v63;
	(pc) =	sbr.rel @p0 .LBB2_1-.Ltmp1, $4  }
0x62: {  	[hbm4b:s6+s3] =	stream.linear.scatter [tilespmem:s3], [sflag:$0x2], $0x10000, $0x38;
	[tilespmem:$0x10100] =	vst v63  }
0x63: {  	_ =	swait.ge [sflag:s11], $0x10000  }
0x64: {  	[sflag:s11] =	ssyncset.done $0x0  }
0x65: {  	[sflag:s11] =	ssyncadd.s32 $0xFFFF0000  }
0x66: {  	_ =	sfence.sel $0x180000  }
0x67: {  	[bflag:$0x0] =	sbarrier.arrive $0xFFFF  }
0x68: {  	p0 =	sne.s32 s1, $0x0;
	_ =	strace $0x90000047  }
0x69: {  	s0 =	sadd.s32 @!p0 $0x100000, s0;
	[bflag:$0x2] =	sbarrier.arrive $0xFFFF  }
0x6a: {  	[sflag:s0] =	ssyncadd.tile.s32 @!p0 $0x1;
	_ =	shalt  }
.Lfunc_end2:
_tile_overlayer_lowered:
.L_overlay_start_2:
0x6b: {  	(tag) =	ssettag $0x2  }
0x6c: {  	s0 =	rddreg [dreg:$0x0];
	s2 =	stileid.u32  }
0x6d: {  	s1 =	rddreg [dreg:$0x1];
	p0 =	sne.s32 s2, $0x0  }
0x6e: {  	s3 =	rddreg [dreg:$0x2];
	[bflag:$0x3] =	sbarrier.arrive $0xFFFF;
	s2 =	simm.s32 @!p0 $0x1C02  }
0x6f: {  	[timem:s3], [sflag:s2] =	dma.local @!p0 [hbm:s0], s1  }
0x70: {  	s0 =	simm.s32 @!p0 $0x2  }
0x71: {  	_ =	swait.ge @!p0 [sflag:s0], s1  }
0x72: {  	s1 =	ssub.s32 @!p0 $0x0, s1;
	[sflag:s0] =	ssyncset.done @!p0 $0x0  }
0x73: {  	[sflag:s0] =	ssyncadd.s32 @!p0 s1  }
0x74: {  	[bflag:$0x3] =	sbarrier.arrive $0xFFFF  }
0x75: {  	_ =	shalt  }

</sc_bundles>
